<compile_context>
chip_gen: v7x
topology: tpu7x:2x2x1
jax: 0.10.2.dev20260603
libtpu: 0.0.44.dev20260713+nightly
codegen_flags: <defaults>
</compile_context>

<pallas_src>
import functools

import jax
import jax.numpy as jnp
from jax import lax
from jax.experimental import pallas as pl
from jax.experimental.pallas import tpu as pltpu
from jax.experimental.pallas import tpu_sc as plsc

_NUM_CORES = 2
_NUM_SUBCORES = 16
_NUM_WORKERS = _NUM_CORES * _NUM_SUBCORES
_CHUNK = 32
_NBUF = 2
_SC_TOKENS = 2048
_TBLK = 2048


@functools.lru_cache(maxsize=None)
def _make_sc_lookup(sc_tokens, num_tokens, vocab, hidden):
    b_per_w = sc_tokens // _NUM_WORKERS
    n_chunks = b_per_w // _CHUNK
    assert n_chunks % _NBUF == 0 and b_per_w % 16 == 0
    mesh = plsc.VectorSubcoreMesh(core_axis_name="c", subcore_axis_name="s")

    @functools.partial(
        pl.kernel,
        out_type=jax.ShapeDtypeStruct((num_tokens, hidden), jnp.float32),
        mesh=mesh,
        scratch_types=[
            pltpu.VMEM((b_per_w,), jnp.int32),
            pltpu.VMEM((_NBUF, _CHUNK, hidden), jnp.float32),
        ] + [pltpu.SemaphoreType.DMA] * (2 * _NBUF),
    )
    def lookup(ids_hbm, table_hbm, out_hbm, idx_v, rows_v, *sems):
        gsems = sems[:_NBUF]
        ssems = sems[_NBUF:]
        wid = lax.axis_index("s") * _NUM_CORES + lax.axis_index("c")
        base = wid * b_per_w

        pltpu.sync_copy(ids_hbm.at[pl.ds(base, b_per_w)], idx_v)
        off = wid * vocab
        for k in range(b_per_w // 16):
            sl = pl.ds(k * 16, 16)
            idx_v[sl] = idx_v[sl] + off

        def gather_start(j, b):
            pltpu.async_copy(
                table_hbm.at[idx_v.at[pl.ds(j * _CHUNK, _CHUNK)]],
                rows_v.at[b], gsems[b])

        def gather_wait(j, b):
            pltpu.make_async_copy(
                table_hbm.at[idx_v.at[pl.ds(j * _CHUNK, _CHUNK)]],
                rows_v.at[b], gsems[b]).wait()

        for b in range(_NBUF):
            gather_start(b, b)

        @pl.loop(0, n_chunks - _NBUF, step=_NBUF)
        def _(g):
            for b in range(_NBUF):
                j = g + b
                gather_wait(j, b)
                scat = pltpu.async_copy(
                    rows_v.at[b],
                    out_hbm.at[pl.ds(base + j * _CHUNK, _CHUNK)],
                    ssems[b])
                scat.wait()
                gather_start(j + _NBUF, b)

        for b in range(_NBUF):
            j = n_chunks - _NBUF + b
            gather_wait(j, b)
            pltpu.sync_copy(
                rows_v.at[b],
                out_hbm.at[pl.ds(base + j * _CHUNK, _CHUNK)])

    return lookup


@functools.lru_cache(maxsize=None)
def _make_tc_lookup(sc_tokens, num_tokens, hidden):
    assert sc_tokens % _TBLK == 0 and (num_tokens - sc_tokens) % _TBLK == 0
    grid = (num_tokens - sc_tokens) // _TBLK
    blk0 = sc_tokens // _TBLK

    def body(ids_ref, table_ref, prev_ref, out_ref):
        del prev_ref
        ids = ids_ref[...]
        t0 = table_ref[0:1, :]
        t1 = table_ref[1:2, :]
        m = jnp.broadcast_to(ids == 0, (_TBLK, hidden))
        out_ref[...] = jnp.where(
            m,
            jnp.broadcast_to(t0, (_TBLK, hidden)),
            jnp.broadcast_to(t1, (_TBLK, hidden)))

    return pl.pallas_call(
        body,
        grid=(grid,),
        in_specs=[
            pl.BlockSpec((_TBLK, 1), lambda i: (blk0 + i, 0)),
            pl.BlockSpec((2, hidden), lambda i: (0, 0)),
            pl.BlockSpec(memory_space=pltpu.MemorySpace.HBM),
        ],
        out_specs=pl.BlockSpec((_TBLK, hidden), lambda i: (blk0 + i, 0)),
        out_shape=jax.ShapeDtypeStruct((num_tokens, hidden), jnp.float32),
        input_output_aliases={2: 0},
    )


@jax.jit
def kernel(token_type_ids, table):
    batch, seq = token_type_ids.shape
    num_tokens = batch * seq
    vocab, hidden = table.shape
    tablef = table.astype(jnp.float32)
    ids_flat = token_type_ids.astype(jnp.int32).reshape(num_tokens)

    table_rep = jnp.tile(tablef, (_NUM_WORKERS, 1))

    out_sc = _make_sc_lookup(_SC_TOKENS, num_tokens, vocab, hidden)(
        ids_flat, table_rep)
    out = _make_tc_lookup(_SC_TOKENS, num_tokens, hidden)(
        ids_flat.reshape(num_tokens, 1), tablef, out_sc)
    return out.reshape(batch, seq, hidden)

# --- scband reference (transcript-rebuilt; emitter-appended) ---
"""Pipeline reference for scband-bert-token-type-embedding-13958643712095 (READ-ONLY COPY).

The authoritative reference and input builder live on the scoring server;
editing this copy changes nothing except your own understanding.
"""

import jax, jax.numpy as jnp
import numpy as np

TYPE_VOCAB = 2
HIDDEN = 1024
BATCH = 4
SEQ = 8192

def setup_inputs(seed: int = 0) -> dict:
    key = jax.random.key(seed)
    k_ids, k_tab = jax.random.split(key)
    token_type_ids = jax.random.randint(k_ids, (BATCH, SEQ), 0, TYPE_VOCAB, dtype=jnp.int64 if jax.config.jax_enable_x64 else jnp.int32)
    table = jax.random.normal(k_tab, (TYPE_VOCAB, HIDDEN), dtype=jnp.float32) * 0.02
    return {"token_type_ids": token_type_ids, "table": table}

def reference(token_type_ids, table):
    # nn.Embedding lookup: gather rows of table by token_type_ids
    return jnp.take(table, token_type_ids, axis=0)

if __name__ == "__main__":
    import jax
    _d = setup_inputs()
    print(jax.jit(kernel)(*tuple(_d.values())))

</pallas_src>

<mosaic_0001>
#map = affine_map<(d0, d1) -> (0)>
#map1 = affine_map<(d0, d1) -> (0, 0)>
module attributes {stable_mosaic.version = 14 : i64} {
  func.func @lookup(%arg0: i32, %arg1: i32, %arg2: memref<32768xi32, #tpu.memory_space<hbm>>, %arg3: memref<64x1024xf32, #tpu.memory_space<hbm>>, %arg4: memref<32768x1024xf32, #tpu.memory_space<hbm>>, %arg5: memref<64xi32, #tpu.memory_space<vmem>>, %arg6: memref<2x32x1024xf32, #tpu.memory_space<vmem>>, %arg7: memref<!tpu.dma_semaphore, #tpu.memory_space<semaphore_mem>>, %arg8: memref<!tpu.dma_semaphore, #tpu.memory_space<semaphore_mem>>, %arg9: memref<!tpu.dma_semaphore, #tpu.memory_space<semaphore_mem>>, %arg10: memref<!tpu.dma_semaphore, #tpu.memory_space<semaphore_mem>>) attributes {dimension_semantics = [#tpu.dimension_semantics<core_parallel>, #tpu.dimension_semantics<subcore_parallel>], iteration_bounds = array<i64: 2, 16>, scalar_prefetch = 0 : i64, scratch_operands = 6 : i64, tpu.core_type = #tpu.core_type<sc_vector_subcore>, window_params = [{transform_indices = #map}, {transform_indices = #map1}, {transform_indices = #map1}]} {
    %mul3A = arith.constant 2 : i32
    %mul3A_0 = arith.muli %arg1, %mul3A : i32
    %add3A = arith.addi %mul3A_0, %arg0 : i32
    %mul3A_1 = arith.constant 64 : i32
    %mul3A_2 = arith.muli %add3A, %mul3A_1 : i32
    "tpu.region"() ({
      %run_scoped3A_85 = tpu.sem_alloc : memref<!tpu.dma_semaphore, #tpu.memory_space<semaphore_mem>>
      %dma_start3A_86 = tpu.memref_slice %arg2[%mul3A_2] : memref<32768xi32, #tpu.memory_space<hbm>> -> memref<64xi32, #tpu.memory_space<hbm>>
      %dma_start3A_87 = tpu.memref_slice %arg2[%mul3A_2] : memref<32768xi32, #tpu.memory_space<hbm>> -> memref<64xi32, #tpu.memory_space<hbm>>
      tpu.enqueue_dma source(%dma_start3A_87 : memref<64xi32, #tpu.memory_space<hbm>>) target(%arg5 : memref<64xi32, #tpu.memory_space<vmem>>) target_semaphore(%run_scoped3A_85 : memref<!tpu.dma_semaphore, #tpu.memory_space<semaphore_mem>>)
      %dma_wait3A_88 = tpu.memref_slice %arg2[%mul3A_2] : memref<32768xi32, #tpu.memory_space<hbm>> -> memref<64xi32, #tpu.memory_space<hbm>>
      %dma_wait3A_89 = tpu.memref_slice %arg2[%mul3A_2] : memref<32768xi32, #tpu.memory_space<hbm>> -> memref<64xi32, #tpu.memory_space<hbm>>
      tpu.wait_dma2 semaphore(%run_scoped3A_85 : memref<!tpu.dma_semaphore, #tpu.memory_space<semaphore_mem>>) src(%dma_wait3A_89 : memref<64xi32, #tpu.memory_space<hbm>>) dst(%arg5 : memref<64xi32, #tpu.memory_space<vmem>>)
      tpu.yield
    }) : () -> ()
    %mul3A_3 = arith.constant 2 : i32
    %mul3A_4 = arith.muli %add3A, %mul3A_3 : i32
    %get3A = arith.constant 0 : index
    %get3A_5 = tpu.vector_load %arg5[%get3A] {strides = array<i32>} : memref<64xi32, #tpu.memory_space<vmem>>, vector<16xi32>,
    %get3A_6 = vector.shape_cast %get3A_5 : vector<16xi32> to vector<16xi32>
    %add3A_7 = vector.broadcast %mul3A_4 : i32 to vector<16xi32>
    %add3A_8 = arith.addi %get3A_6, %add3A_7 : vector<16xi32>
    %swap3A = arith.constant 0 : index
    %swap3A_9 = tpu.vector_load %arg5[%swap3A] {strides = array<i32>} : memref<64xi32, #tpu.memory_space<vmem>>, vector<16xi32>,
    %swap3A_10 = vector.shape_cast %swap3A_9 : vector<16xi32> to vector<16xi32>
    %swap3A_11 = vector.shape_cast %add3A_8 : vector<16xi32> to vector<16xi32>
    tpu.vector_store %arg5[%swap3A], %swap3A_11 {strides = array<i32>} : memref<64xi32, #tpu.memory_space<vmem>>, vector<16xi32>,
    %get3A_12 = arith.constant 16 : index
    %get3A_13 = tpu.vector_load %arg5[%get3A_12] {strides = array<i32>} : memref<64xi32, #tpu.memory_space<vmem>>, vector<16xi32>,
    %get3A_14 = vector.shape_cast %get3A_13 : vector<16xi32> to vector<16xi32>
    %add3A_15 = vector.broadcast %mul3A_4 : i32 to vector<16xi32>
    %add3A_16 = arith.addi %get3A_14, %add3A_15 : vector<16xi32>
    %swap3A_17 = arith.constant 16 : index
    %swap3A_18 = tpu.vector_load %arg5[%swap3A_17] {strides = array<i32>} : memref<64xi32, #tpu.memory_space<vmem>>, vector<16xi32>,
    %swap3A_19 = vector.shape_cast %swap3A_18 : vector<16xi32> to vector<16xi32>
    %swap3A_20 = vector.shape_cast %add3A_16 : vector<16xi32> to vector<16xi32>
    tpu.vector_store %arg5[%swap3A_17], %swap3A_20 {strides = array<i32>} : memref<64xi32, #tpu.memory_space<vmem>>, vector<16xi32>,
    %get3A_21 = arith.constant 32 : index
    %get3A_22 = tpu.vector_load %arg5[%get3A_21] {strides = array<i32>} : memref<64xi32, #tpu.memory_space<vmem>>, vector<16xi32>,
    %get3A_23 = vector.shape_cast %get3A_22 : vector<16xi32> to vector<16xi32>
    %add3A_24 = vector.broadcast %mul3A_4 : i32 to vector<16xi32>
    %add3A_25 = arith.addi %get3A_23, %add3A_24 : vector<16xi32>
    %swap3A_26 = arith.constant 32 : index
    %swap3A_27 = tpu.vector_load %arg5[%swap3A_26] {strides = array<i32>} : memref<64xi32, #tpu.memory_space<vmem>>, vector<16xi32>,
    %swap3A_28 = vector.shape_cast %swap3A_27 : vector<16xi32> to vector<16xi32>
    %swap3A_29 = vector.shape_cast %add3A_25 : vector<16xi32> to vector<16xi32>
    tpu.vector_store %arg5[%swap3A_26], %swap3A_29 {strides = array<i32>} : memref<64xi32, #tpu.memory_space<vmem>>, vector<16xi32>,
    %get3A_30 = arith.constant 48 : index
    %get3A_31 = tpu.vector_load %arg5[%get3A_30] {strides = array<i32>} : memref<64xi32, #tpu.memory_space<vmem>>, vector<16xi32>,
    %get3A_32 = vector.shape_cast %get3A_31 : vector<16xi32> to vector<16xi32>
    %add3A_33 = vector.broadcast %mul3A_4 : i32 to vector<16xi32>
    %add3A_34 = arith.addi %get3A_32, %add3A_33 : vector<16xi32>
    %swap3A_35 = arith.constant 48 : index
    %swap3A_36 = tpu.vector_load %arg5[%swap3A_35] {strides = array<i32>} : memref<64xi32, #tpu.memory_space<vmem>>, vector<16xi32>,
    %swap3A_37 = vector.shape_cast %swap3A_36 : vector<16xi32> to vector<16xi32>
    %swap3A_38 = vector.shape_cast %add3A_34 : vector<16xi32> to vector<16xi32>
    tpu.vector_store %arg5[%swap3A_35], %swap3A_38 {strides = array<i32>} : memref<64xi32, #tpu.memory_space<vmem>>, vector<16xi32>,
    %dma_start3A = arith.constant 0 : i32
    %dma_start3A_39 = arith.constant 0 : i32
    %dma_start3A_40 = arith.constant 0 : i32
    %dma_start3A_41 = tpu.memref_slice %arg6[%dma_start3A, %dma_start3A_39, %dma_start3A_40] : memref<2x32x1024xf32, #tpu.memory_space<vmem>> -> memref<1x32x1024xf32, #tpu.memory_space<vmem>>
    %dma_start3A_42 = tpu.memref_squeeze %dma_start3A_41 : memref<1x32x1024xf32, #tpu.memory_space<vmem>> -> memref<32x1024xf32, #tpu.memory_space<vmem>>
    %dma_start3A_43 = arith.constant 0 : i32
    %dma_start3A_44 = tpu.memref_slice %arg5[%dma_start3A_43] : memref<64xi32, #tpu.memory_space<vmem>> -> memref<32xi32, #tpu.memory_space<vmem>>
    %dma_start3A_45 = arith.constant 0 : i32
    %dma_start3A_46 = arith.constant 0 : i32
    %dma_start3A_47 = tpu.memref_slice %arg3[%dma_start3A_45, %dma_start3A_46] : memref<64x1024xf32, #tpu.memory_space<hbm>> -> memref<64x1024xf32, #tpu.memory_space<hbm>>
    tpu.enqueue_indirect_dma source(%dma_start3A_47 : memref<64x1024xf32, #tpu.memory_space<hbm>>) target(%dma_start3A_42 : memref<32x1024xf32, #tpu.memory_space<vmem>>) offsets(%dma_start3A_44 : memref<32xi32, #tpu.memory_space<vmem>>) semaphore(%arg7 : memref<!tpu.dma_semaphore, #tpu.memory_space<semaphore_mem>>)
    %dma_start3A_48 = arith.constant 1 : i32
    %dma_start3A_49 = arith.constant 0 : i32
    %dma_start3A_50 = arith.constant 0 : i32
    %dma_start3A_51 = tpu.memref_slice %arg6[%dma_start3A_48, %dma_start3A_49, %dma_start3A_50] : memref<2x32x1024xf32, #tpu.memory_space<vmem>> -> memref<1x32x1024xf32, #tpu.memory_space<vmem>>
    %dma_start3A_52 = tpu.memref_squeeze %dma_start3A_51 : memref<1x32x1024xf32, #tpu.memory_space<vmem>> -> memref<32x1024xf32, #tpu.memory_space<vmem>>
    %dma_start3A_53 = arith.constant 32 : i32
    %dma_start3A_54 = tpu.memref_slice %arg5[%dma_start3A_53] : memref<64xi32, #tpu.memory_space<vmem>> -> memref<32xi32, #tpu.memory_space<vmem>>
    %dma_start3A_55 = arith.constant 0 : i32
    %dma_start3A_56 = arith.constant 0 : i32
    %dma_start3A_57 = tpu.memref_slice %arg3[%dma_start3A_55, %dma_start3A_56] : memref<64x1024xf32, #tpu.memory_space<hbm>> -> memref<64x1024xf32, #tpu.memory_space<hbm>>
    tpu.enqueue_indirect_dma source(%dma_start3A_57 : memref<64x1024xf32, #tpu.memory_space<hbm>>) target(%dma_start3A_52 : memref<32x1024xf32, #tpu.memory_space<vmem>>) offsets(%dma_start3A_54 : memref<32xi32, #tpu.memory_space<vmem>>) semaphore(%arg8 : memref<!tpu.dma_semaphore, #tpu.memory_space<semaphore_mem>>)
    %scan3A = arith.constant 0 : i32
    %scan3A_58 = arith.constant 0 : i32
    %scan3A_59 = arith.addi %scan3A, %scan3A_58 : i32
    %scan3A_60 = arith.constant 0 : i32
    %dma_wait3A = arith.constant 0 : i32
    %dma_wait3A_61 = arith.constant 0 : i32
    %dma_wait3A_62 = arith.constant 0 : i32
    %dma_wait3A_63 = tpu.memref_slice %arg6[%dma_wait3A, %dma_wait3A_61, %dma_wait3A_62] : memref<2x32x1024xf32, #tpu.memory_space<vmem>> -> memref<1x32x1024xf32, #tpu.memory_space<vmem>>
    %dma_wait3A_64 = tpu.memref_squeeze %dma_wait3A_63 : memref<1x32x1024xf32, #tpu.memory_space<vmem>> -> memref<32x1024xf32, #tpu.memory_space<vmem>>
    %dma_wait3A_65 = arith.constant 0 : i32
    %dma_wait3A_66 = tpu.memref_slice %arg5[%dma_wait3A_65] : memref<64xi32, #tpu.memory_space<vmem>> -> memref<32xi32, #tpu.memory_space<vmem>>
    %dma_wait3A_67 = arith.constant 0 : i32
    %dma_wait3A_68 = arith.constant 0 : i32
    %dma_wait3A_69 = tpu.memref_slice %arg3[%dma_wait3A_67, %dma_wait3A_68] : memref<64x1024xf32, #tpu.memory_space<hbm>> -> memref<64x1024xf32, #tpu.memory_space<hbm>>
    tpu.wait_indirect_dma semaphore(%arg7 : memref<!tpu.dma_semaphore, #tpu.memory_space<semaphore_mem>>) src(%dma_wait3A_69 : memref<64x1024xf32, #tpu.memory_space<hbm>>) dst(%dma_wait3A_64 : memref<32x1024xf32, #tpu.memory_space<vmem>>)
    %add3A_70 = arith.constant 0 : i32
    %add3A_71 = arith.addi %mul3A_2, %add3A_70 : i32
    %run_scoped3A = arith.constant 0 : i32
    "tpu.region"() ({
      %run_scoped3A_85 = tpu.sem_alloc : memref<!tpu.dma_semaphore, #tpu.memory_space<semaphore_mem>>
      %dma_start3A_86 = arith.constant 0 : i32
      %dma_start3A_87 = arith.constant 0 : i32
      %dma_start3A_88 = tpu.memref_slice %arg6[%run_scoped3A, %dma_start3A_86, %dma_start3A_87] : memref<2x32x1024xf32, #tpu.memory_space<vmem>> -> memref<1x32x1024xf32, #tpu.memory_space<vmem>>
      %dma_start3A_89 = tpu.memref_squeeze %dma_start3A_88 : memref<1x32x1024xf32, #tpu.memory_space<vmem>> -> memref<32x1024xf32, #tpu.memory_space<vmem>>
      %dma_start3A_90 = arith.constant 0 : i32
      %dma_start3A_91 = tpu.memref_slice %arg4[%add3A_71, %dma_start3A_90] : memref<32768x1024xf32, #tpu.memory_space<hbm>> -> memref<32x1024xf32, #tpu.memory_space<hbm>>
      %dma_start3A_92 = arith.constant 0 : i32
      %dma_start3A_93 = tpu.memref_slice %arg4[%add3A_71, %dma_start3A_92] : memref<32768x1024xf32, #tpu.memory_space<hbm>> -> memref<32x1024xf32, #tpu.memory_space<hbm>>
      %dma_start3A_94 = arith.constant 0 : i32
      %dma_start3A_95 = arith.constant 0 : i32
      %dma_start3A_96 = tpu.memref_slice %arg6[%run_scoped3A, %dma_start3A_94, %dma_start3A_95] : memref<2x32x1024xf32, #tpu.memory_space<vmem>> -> memref<1x32x1024xf32, #tpu.memory_space<vmem>>
      %dma_start3A_97 = tpu.memref_squeeze %dma_start3A_96 : memref<1x32x1024xf32, #tpu.memory_space<vmem>> -> memref<32x1024xf32, #tpu.memory_space<vmem>>
      tpu.enqueue_dma source(%dma_start3A_97 : memref<32x1024xf32, #tpu.memory_space<vmem>>) target(%dma_start3A_93 : memref<32x1024xf32, #tpu.memory_space<hbm>>) target_semaphore(%run_scoped3A_85 : memref<!tpu.dma_semaphore, #tpu.memory_space<semaphore_mem>>)
      %dma_wait3A_98 = arith.constant 0 : i32
      %dma_wait3A_99 = arith.constant 0 : i32
      %dma_wait3A_100 = tpu.memref_slice %arg6[%run_scoped3A, %dma_wait3A_98, %dma_wait3A_99] : memref<2x32x1024xf32, #tpu.memory_space<vmem>> -> memref<1x32x1024xf32, #tpu.memory_space<vmem>>
      %dma_wait3A_101 = tpu.memref_squeeze %dma_wait3A_100 : memref<1x32x1024xf32, #tpu.memory_space<vmem>> -> memref<32x1024xf32, #tpu.memory_space<vmem>>
      %dma_wait3A_102 = arith.constant 0 : i32
      %dma_wait3A_103 = tpu.memref_slice %arg4[%add3A_71, %dma_wait3A_102] : memref<32768x1024xf32, #tpu.memory_space<hbm>> -> memref<32x1024xf32, #tpu.memory_space<hbm>>
      %dma_wait3A_104 = arith.constant 0 : i32
      %dma_wait3A_105 = tpu.memref_slice %arg4[%add3A_71, %dma_wait3A_104] : memref<32768x1024xf32, #tpu.memory_space<hbm>> -> memref<32x1024xf32, #tpu.memory_space<hbm>>
      %dma_wait3A_106 = arith.constant 0 : i32
      %dma_wait3A_107 = arith.constant 0 : i32
      %dma_wait3A_108 = tpu.memref_slice %arg6[%run_scoped3A, %dma_wait3A_106, %dma_wait3A_107] : memref<2x32x1024xf32, #tpu.memory_space<vmem>> -> memref<1x32x1024xf32, #tpu.memory_space<vmem>>
      %dma_wait3A_109 = tpu.memref_squeeze %dma_wait3A_108 : memref<1x32x1024xf32, #tpu.memory_space<vmem>> -> memref<32x1024xf32, #tpu.memory_space<vmem>>
      tpu.wait_dma2 semaphore(%run_scoped3A_85 : memref<!tpu.dma_semaphore, #tpu.memory_space<semaphore_mem>>) src(%dma_wait3A_109 : memref<32x1024xf32, #tpu.memory_space<vmem>>) dst(%dma_wait3A_105 : memref<32x1024xf32, #tpu.memory_space<hbm>>)
      tpu.yield
    }) : () -> ()
    %dma_wait3A_72 = arith.constant 1 : i32
    %dma_wait3A_73 = arith.constant 0 : i32
    %dma_wait3A_74 = arith.constant 0 : i32
    %dma_wait3A_75 = tpu.memref_slice %arg6[%dma_wait3A_72, %dma_wait3A_73, %dma_wait3A_74] : memref<2x32x1024xf32, #tpu.memory_space<vmem>> -> memref<1x32x1024xf32, #tpu.memory_space<vmem>>
    %dma_wait3A_76 = tpu.memref_squeeze %dma_wait3A_75 : memref<1x32x1024xf32, #tpu.memory_space<vmem>> -> memref<32x1024xf32, #tpu.memory_space<vmem>>
    %dma_wait3A_77 = arith.constant 32 : i32
    %dma_wait3A_78 = tpu.memref_slice %arg5[%dma_wait3A_77] : memref<64xi32, #tpu.memory_space<vmem>> -> memref<32xi32, #tpu.memory_space<vmem>>
    %dma_wait3A_79 = arith.constant 0 : i32
    %dma_wait3A_80 = arith.constant 0 : i32
    %dma_wait3A_81 = tpu.memref_slice %arg3[%dma_wait3A_79, %dma_wait3A_80] : memref<64x1024xf32, #tpu.memory_space<hbm>> -> memref<64x1024xf32, #tpu.memory_space<hbm>>
    tpu.wait_indirect_dma semaphore(%arg8 : memref<!tpu.dma_semaphore, #tpu.memory_space<semaphore_mem>>) src(%dma_wait3A_81 : memref<64x1024xf32, #tpu.memory_space<hbm>>) dst(%dma_wait3A_76 : memref<32x1024xf32, #tpu.memory_space<vmem>>)
    %add3A_82 = arith.constant 32 : i32
    %add3A_83 = arith.addi %mul3A_2, %add3A_82 : i32
    %run_scoped3A_84 = arith.constant 1 : i32
    "tpu.region"() ({
      %run_scoped3A_85 = tpu.sem_alloc : memref<!tpu.dma_semaphore, #tpu.memory_space<semaphore_mem>>
      %dma_start3A_86 = arith.constant 0 : i32
      %dma_start3A_87 = arith.constant 0 : i32
      %dma_start3A_88 = tpu.memref_slice %arg6[%run_scoped3A_84, %dma_start3A_86, %dma_start3A_87] : memref<2x32x1024xf32, #tpu.memory_space<vmem>> -> memref<1x32x1024xf32, #tpu.memory_space<vmem>>
      %dma_start3A_89 = tpu.memref_squeeze %dma_start3A_88 : memref<1x32x1024xf32, #tpu.memory_space<vmem>> -> memref<32x1024xf32, #tpu.memory_space<vmem>>
      %dma_start3A_90 = arith.constant 0 : i32
      %dma_start3A_91 = tpu.memref_slice %arg4[%add3A_83, %dma_start3A_90] : memref<32768x1024xf32, #tpu.memory_space<hbm>> -> memref<32x1024xf32, #tpu.memory_space<hbm>>
      %dma_start3A_92 = arith.constant 0 : i32
      %dma_start3A_93 = tpu.memref_slice %arg4[%add3A_83, %dma_start3A_92] : memref<32768x1024xf32, #tpu.memory_space<hbm>> -> memref<32x1024xf32, #tpu.memory_space<hbm>>
      %dma_start3A_94 = arith.constant 0 : i32
      %dma_start3A_95 = arith.constant 0 : i32
      %dma_start3A_96 = tpu.memref_slice %arg6[%run_scoped3A_84, %dma_start3A_94, %dma_start3A_95] : memref<2x32x1024xf32, #tpu.memory_space<vmem>> -> memref<1x32x1024xf32, #tpu.memory_space<vmem>>
      %dma_start3A_97 = tpu.memref_squeeze %dma_start3A_96 : memref<1x32x1024xf32, #tpu.memory_space<vmem>> -> memref<32x1024xf32, #tpu.memory_space<vmem>>
      tpu.enqueue_dma source(%dma_start3A_97 : memref<32x1024xf32, #tpu.memory_space<vmem>>) target(%dma_start3A_93 : memref<32x1024xf32, #tpu.memory_space<hbm>>) target_semaphore(%run_scoped3A_85 : memref<!tpu.dma_semaphore, #tpu.memory_space<semaphore_mem>>)
      %dma_wait3A_98 = arith.constant 0 : i32
      %dma_wait3A_99 = arith.constant 0 : i32
      %dma_wait3A_100 = tpu.memref_slice %arg6[%run_scoped3A_84, %dma_wait3A_98, %dma_wait3A_99] : memref<2x32x1024xf32, #tpu.memory_space<vmem>> -> memref<1x32x1024xf32, #tpu.memory_space<vmem>>
      %dma_wait3A_101 = tpu.memref_squeeze %dma_wait3A_100 : memref<1x32x1024xf32, #tpu.memory_space<vmem>> -> memref<32x1024xf32, #tpu.memory_space<vmem>>
      %dma_wait3A_102 = arith.constant 0 : i32
      %dma_wait3A_103 = tpu.memref_slice %arg4[%add3A_83, %dma_wait3A_102] : memref<32768x1024xf32, #tpu.memory_space<hbm>> -> memref<32x1024xf32, #tpu.memory_space<hbm>>
      %dma_wait3A_104 = arith.constant 0 : i32
      %dma_wait3A_105 = tpu.memref_slice %arg4[%add3A_83, %dma_wait3A_104] : memref<32768x1024xf32, #tpu.memory_space<hbm>> -> memref<32x1024xf32, #tpu.memory_space<hbm>>
      %dma_wait3A_106 = arith.constant 0 : i32
      %dma_wait3A_107 = arith.constant 0 : i32
      %dma_wait3A_108 = tpu.memref_slice %arg6[%run_scoped3A_84, %dma_wait3A_106, %dma_wait3A_107] : memref<2x32x1024xf32, #tpu.memory_space<vmem>> -> memref<1x32x1024xf32, #tpu.memory_space<vmem>>
      %dma_wait3A_109 = tpu.memref_squeeze %dma_wait3A_108 : memref<1x32x1024xf32, #tpu.memory_space<vmem>> -> memref<32x1024xf32, #tpu.memory_space<vmem>>
      tpu.wait_dma2 semaphore(%run_scoped3A_85 : memref<!tpu.dma_semaphore, #tpu.memory_space<semaphore_mem>>) src(%dma_wait3A_109 : memref<32x1024xf32, #tpu.memory_space<vmem>>) dst(%dma_wait3A_105 : memref<32x1024xf32, #tpu.memory_space<hbm>>)
      tpu.yield
    }) : () -> ()
    return
  }
}

module attributes {stable_mosaic.version = 14 : i64} {
  func.func @body(%arg0: i32, %arg1: memref<2048x1xi32, #tpu.memory_space<vmem>>, %arg2: memref<2x1024xf32, #tpu.memory_space<vmem>>, %arg3: memref<32768x1024xf32, #tpu.memory_space<hbm>>, %arg4: memref<2048x1024xf32, #tpu.memory_space<vmem>>) attributes {dimension_semantics = [#tpu.dimension_semantics<arbitrary>], iteration_bounds = array<i64: 15>, scalar_prefetch = 0 : i64, scratch_operands = 0 : i64, tpu.core_type = #tpu.core_type<tc>, window_params = [{transform_indices = @transform_0, window_bounds = array<i64: 2048, 1>}, {pipeline_mode = #tpu.pipeline_mode<synchronous>, transform_indices = @transform_1, window_bounds = array<i64: 2, 1024>}, {}, {transform_indices = @transform_3, window_bounds = array<i64: 2048, 1024>}]} {
    %get3A = arith.constant 0 : index
    %get3A_0 = arith.constant 0 : index
    %get3A_1 = vector.load %arg1[%get3A, %get3A_0] : memref<2048x1xi32, #tpu.memory_space<vmem>>, vector<2048x1xi32>
    %get3A_2 = arith.constant 0 : index
    %get3A_3 = arith.constant 0 : index
    %get3A_4 = vector.load %arg2[%get3A_2, %get3A_3] : memref<2x1024xf32, #tpu.memory_space<vmem>>, vector<1x1024xf32>
    %get3A_5 = arith.constant 1 : index
    %get3A_6 = arith.constant 0 : index
    %get3A_7 = vector.load %arg2[%get3A_5, %get3A_6] : memref<2x1024xf32, #tpu.memory_space<vmem>>, vector<1x1024xf32>
    %eq3A = arith.constant 0 : i32
    %eq3A_8 = vector.broadcast %eq3A : i32 to vector<2048x1xi32>
    %eq3A_9 = arith.cmpi eq, %get3A_1, %eq3A_8 : vector<2048x1xi32>
    %broadcast_in_dim3A = vector.shape_cast %eq3A_9 : vector<2048x1xi1> to vector<2048x1xi1>
    %broadcast_in_dim3A_10 = vector.broadcast %broadcast_in_dim3A : vector<2048x1xi1> to vector<2048x1024xi1>
    %broadcast_in_dim3A_11 = vector.shape_cast %get3A_4 : vector<1x1024xf32> to vector<1x1024xf32>
    %broadcast_in_dim3A_12 = vector.broadcast %broadcast_in_dim3A_11 : vector<1x1024xf32> to vector<2048x1024xf32>
    %broadcast_in_dim3A_13 = vector.shape_cast %get3A_7 : vector<1x1024xf32> to vector<1x1024xf32>
    %broadcast_in_dim3A_14 = vector.broadcast %broadcast_in_dim3A_13 : vector<1x1024xf32> to vector<2048x1024xf32>
    %select_n3A = arith.select %broadcast_in_dim3A_10, %broadcast_in_dim3A_12, %broadcast_in_dim3A_14 : vector<2048x1024xi1>, vector<2048x1024xf32>
    %swap3A = arith.constant 0 : index
    %swap3A_15 = arith.constant 0 : index
    %swap3A_16 = vector.load %arg4[%swap3A, %swap3A_15] : memref<2048x1024xf32, #tpu.memory_space<vmem>>, vector<2048x1024xf32>
    tpu.vector_store %arg4[%swap3A, %swap3A_15], %select_n3A {strides = array<i32>} : memref<2048x1024xf32, #tpu.memory_space<vmem>>, vector<2048x1024xf32>,
    return
  }
  func.func @transform_0(%arg0: i32) -> (i32, i32) {
    %add3A = arith.constant 1 : i32
    %add3A_0 = arith.addi %add3A, %arg0 : i32
    %c0_i32 = arith.constant 0 : i32
    %c0_i32_1 = arith.constant 0 : i32
    return %add3A_0, %c0_i32 : i32, i32
  }
  func.func @transform_1(%arg0: i32) -> (i32, i32) {
    %c0_i32 = arith.constant 0 : i32
    %c0_i32_0 = arith.constant 0 : i32
    %c0_i32_1 = arith.constant 0 : i32
    return %c0_i32, %c0_i32_0 : i32, i32
  }
  func.func @transform_3(%arg0: i32) -> (i32, i32) {
    %add3A = arith.constant 1 : i32
    %add3A_0 = arith.addi %add3A, %arg0 : i32
    %c0_i32 = arith.constant 0 : i32
    %c0_i32_1 = arith.constant 0 : i32
    return %add3A_0, %c0_i32 : i32, i32
  }
}

</mosaic_0001>

<sc_bundles>
// kernel: kernel.4.cloned.1.call-start
scs
__scs_entry_jumppad:
0x0: {  	(pc) =	sbr.rel $0x88, $3  }
0x1: {  	(tag) =	ssettag $0x0;
	lr =	simm.s32 $0x1  }
0x2: {  	[smem:$0x3F9F] =	sst lr;
	_ =	strace $0xD0000000  }
0x3: {  	_ = 	snop  }
0x4: {  	_ = 	snop  }
0x5: {  	_ = 	snop  }
0x6: {  	_ = 	snop  }
0x7: {  	_ = 	snop  }
__scs_overlays_trampoline_lowered:
0x8: {  	[smem:$0x3FAE] =	sst s0  }
0x9: {  	[smem:$0x3FAF] =	sst s1  }
0xa: {  	[smem:$0x3FB0] =	sst s2  }
0xb: {  	[smem:$0x3FB1] =	sst s3  }
0xc: {  	[smem:$0x3FB2] =	sst s4  }
0xd: {  	[smem:$0x3FB3] =	sst s5  }
0xe: {  	[smem:$0x3FB4] =	sst s6  }
0xf: {  	[smem:$0x3FB5] =	sst s7  }
0x10: {  	[smem:$0x3FB6] =	sst s8  }
0x11: {  	[smem:$0x3FB7] =	sst s9;
	s0 =	simm.s32 @!p0 $0x0  }
0x12: {  	s1 =	sld [smem:$0x3F9D];
	s0 =	simm.s32 @p0 $0x1  }
0x13: {  	[smem:$0x3FB8] =	sst s0;
	s0 =	simm.s32 @!p1 $0x0  }
0x14: {  	s2 =	sld [smem:$0x3F9C];
	s0 =	simm.s32 @p1 $0x1  }
0x15: {  	[smem:$0x3FB9] =	sst s0;
	s0 =	simm.s32 @!p2 $0x0  }
0x16: {  	s3 =	sld [smem:$0x3FDB];
	s0 =	simm.s32 @p2 $0x1  }
0x17: {  	s4 =	simm.s32 $0x1BF5;
	[smem:$0x3FBB] =	sst s0  }
0x18: {  	s0 =	sld [smem:$0x3F9E];
	_ =	swait.ge [sflag:s4], $0x0  }
0x19: {  	s7 =	sld [smem:$0x3F9F]  }
0x1a: {  	s8 =	sadd.s32 $0xFFFFE003, lr  }
0x1b: {  	s9 =	sadd.s32 $0xFFFFFEF7, lr;
	s5 =	simm.s32 $0xFFFFFFFF;
	p2 =	slt.u32 s8, $0xFFFFF086  }
0x1c: {  	p1 =	slt.u32 s9, $0xF7A;
	s5 =	simm.s32 @!p2 $0x0  }
0x1d: {  	s5 =	simm.s32 @p1 $0x1;
	p0 =	seq.s32 s7, s2  }
0x1e: {  	s7 =	smul.u32 @!p0 $0xF7A, s2;
	p2 =	seq.s32 @!p0 s5, $0x0  }
0x1f: {  	s9 =	smul.u32 $0xF7A, s1;
	s8 =	simm.s32 @!p0 $0x1BF5;
	p2 =	por !p2, p0  }
0x20: {  	[sflag:s8] =	ssyncset.s32 @!p0 $0xFFFFF086;
	s6 =	sadd.s32 @!p0 s3, s7;
	s7 =	simm.s32 @!p0 $0x108  }
0x21: {  	s3 =	sadd.s32 s3, s9;
	s6 =	sadd.s32 @!p0 $0x88, s6;
	s7 =	simm.s32 @p2 $0x1082  }
0x22: {  	[simem:s7], [sflag:s8] =	dma.local @!p0 [hbm:s6], $0xF7A  }
0x23: {  	s9 =	sor.u32 $0xD0000000, s2;
	s6 =	simm.s32 $0x108;
	_ =	swait.ge @!p0 [sflag:s8], $0x0  }
0x24: {  	s3 =	sadd.s32 $0x88, s3;
	s6 =	simm.s32 @!p1 $0x1082;
	[sflag:s4] =	ssyncset.s32 $0xFFFFF086  }
0x25: {  	[simem:s6], [sflag:s4] =	dma.local [hbm:s3], $0xF7A  }
0x26: {  	[smem:$0x3F9F] =	sst s1;
	(tag) =	ssettag s2;
	_ =	strace s9  }
0x27: {  	s1 =	sld [smem:$0x3FAF]  }
0x28: {  	s2 =	sld [smem:$0x3FB0]  }
0x29: {  	s4 =	sld [smem:$0x3FB2]  }
0x2a: {  	p0 =	seq.s32 s5, $0x0;
	s5 =	sld [smem:$0x3FB3]  }
0x2b: {  	s6 =	sld [smem:$0x3FB4]  }
0x2c: {  	s7 =	sld [smem:$0x3FB5]  }
0x2d: {  	s3 =	simm.s32 $0x108;
	s8 =	sld [smem:$0x3FB6]  }
0x2e: {  	s3 =	simm.s32 @!p0 $0x1082;
	s9 =	sld [smem:$0x3FB7]  }
0x2f: {  	lr =	sadd.s32 s0, s3;
	s0 =	sld [smem:$0x3FAE]  }
0x30: {  	s3 =	sld [smem:$0x3FB1]  }
0x31: {  	[smem:$0x3FBA] =	sst s10  }
0x32: {  	s10 =	sld [smem:$0x3FB8];
	_ =	sdelay $0x3  }
0x33: {  	p0 =	seq.s32 s10, $0x1;
	s10 =	sld [smem:$0x3FBA];
	_ =	sdelay $0x3  }
0x34: {  	[smem:$0x3FBA] =	sst s10  }
0x35: {  	s10 =	sld [smem:$0x3FB9];
	_ =	sdelay $0x3  }
0x36: {  	p1 =	seq.s32 s10, $0x1;
	s10 =	sld [smem:$0x3FBA];
	_ =	sdelay $0x3  }
0x37: {  	[smem:$0x3FBA] =	sst s10  }
0x38: {  	s10 =	sld [smem:$0x3FBB]  }
0x39: {  	_ = 	snop;
	(pc) =	sbr.ind lr, $3  }
0x3a: {  	_ = 	snop  }
0x3b: {  	_ = 	snop  }
0x3c: {  	p2 =	seq.s32 s10, $0x1;
	s10 =	sld [smem:$0x3FBA]  }
0x3d: {  	_ =	shalt  }
0x3e: {  	_ =	shalt  }
0x3f: {  	_ =	shalt  }
0x40: {  	_ =	shalt  }
0x41: {  	_ =	shalt  }
0x42: {  	_ =	shalt  }
0x43: {  	_ =	shalt  }
0x44: {  	_ =	shalt  }
0x45: {  	_ =	shalt  }
0x46: {  	_ =	shalt  }
0x47: {  	_ =	shalt  }
0x48: {  	_ =	shalt  }
0x49: {  	_ =	shalt  }
0x4a: {  	_ =	shalt  }
0x4b: {  	_ =	shalt  }
0x4c: {  	_ =	shalt  }
0x4d: {  	_ =	shalt  }
0x4e: {  	_ =	shalt  }
0x4f: {  	_ =	shalt  }
0x50: {  	_ =	shalt  }
0x51: {  	_ =	shalt  }
0x52: {  	_ =	shalt  }
0x53: {  	_ =	shalt  }
0x54: {  	_ =	shalt  }
0x55: {  	_ =	shalt  }
0x56: {  	_ =	shalt  }
0x57: {  	_ =	shalt  }
0x58: {  	_ =	shalt  }
0x59: {  	_ =	shalt  }
0x5a: {  	_ =	shalt  }
0x5b: {  	_ =	shalt  }
0x5c: {  	_ =	shalt  }
0x5d: {  	_ =	shalt  }
0x5e: {  	_ =	shalt  }
0x5f: {  	_ =	shalt  }
0x60: {  	_ =	shalt  }
0x61: {  	_ =	shalt  }
0x62: {  	_ =	shalt  }
0x63: {  	_ =	shalt  }
0x64: {  	_ =	shalt  }
0x65: {  	_ =	shalt  }
0x66: {  	_ =	shalt  }
0x67: {  	_ =	shalt  }
0x68: {  	_ =	shalt  }
0x69: {  	_ =	shalt  }
0x6a: {  	_ =	shalt  }
0x6b: {  	_ =	shalt  }
0x6c: {  	_ =	shalt  }
0x6d: {  	_ =	shalt  }
0x6e: {  	_ =	shalt  }
0x6f: {  	_ =	shalt  }
0x70: {  	_ =	shalt  }
0x71: {  	_ =	shalt  }
0x72: {  	_ =	shalt  }
0x73: {  	_ =	shalt  }
0x74: {  	_ =	shalt  }
0x75: {  	_ =	shalt  }
0x76: {  	_ =	shalt  }
0x77: {  	_ =	shalt  }
0x78: {  	_ =	shalt  }
0x79: {  	_ =	shalt  }
0x7a: {  	_ =	shalt  }
0x7b: {  	_ =	shalt  }
0x7c: {  	_ =	shalt  }
0x7d: {  	_ =	shalt  }
0x7e: {  	_ =	shalt  }
0x7f: {  	_ =	shalt  }
0x80: {  	_ =	shalt  }
0x81: {  	_ =	shalt  }
0x82: {  	_ =	shalt  }
0x83: {  	_ =	shalt  }
0x84: {  	_ =	shalt  }
0x85: {  	_ =	shalt  }
0x86: {  	_ =	shalt  }
0x87: {  	_ =	shalt  }
.Lfunc_end0:
.L_simem_size_0:
called_computation_lowered:
.L_overlay_start_0:
0x88: {  	s2 =	sld [smem:$0x3FD9]  }
0x89: {  	s3 =	sld [smem:$0x3FFE];
	_ =	sdelay $0x1  }
0x8a: {  	s1 =	srdreg.scid  }
0x8b: {  	s0 =	sand.u32 $0x1, s1  }
0x8c: {  	s17 =	sshll.u32 s0, $0xA;
	s2 =	sadd.s32 s3, s2  }
0x8d: {  	s2 =	sadd.s32 s2, s17  }
0x8e: {  	[smem:$0x3FC6] =	sst s2  }
0x8f: {  	_ = 	snop  }
0x90: {  	s2 =	sld [smem:$0x3FD0];
	(tm) =	ssettm $0x1  }
0x91: {  	s18 =	sld [smem:$0x3FFB];
	_ =	sdelay $0x3  }
0x92: {  	_ =	strace s18  }
0x93: {  	s3 =	sld [smem:$0x3FFC];
	_ =	sdelay $0x3  }
0x94: {  	_ =	strace s3  }
0x95: {  	s3 =	sld [smem:$0x3FFD];
	_ =	sdelay $0x3  }
0x96: {  	_ =	strace s3  }
0x97: {  	_ =	strace $0x8FFFFFFF  }
0x98: {  	s19 =	sld [smem:$0x3FDB];
	_ =	sdelay $0x1  }
0x99: {  	s4 =	simm.s32 $_scs_section_size  }
0x9a: {  	s5 =	simm.s32 $_size__tile_overlayer_lowered;
	s6 =	simm.s32 $_tile_overlayer_lowered  }
0x9b: {  	s22 =	simm.s32 $0x1BFF;
	s21 =	sshll.u32 s6, $0x1;
	s3 =	sadd.s32 s4, s19  }
0x9c: {  	s7 =	simm.s32 $0x0;
	s20 =	sshll.u32 s5, $0x1;
	s5 =	sadd.s32 s21, s3  }
0x9d: {  	[timem:s7], [sflag:s22] =	dma.local [hbm:s5], s20  }
0x9e: {  	_ =	swait.ge [sflag:s22], s20  }
0x9f: {  	s4 =	ssub.s32 $0x0, s20;
	[sflag:s22] =	ssyncset.done $0x0  }
0xa0: {  	[sflag:s22] =	ssyncadd.s32 s4;
	_ =	sdelay $0x1  }
0xa1: {  	s23 =	simm.s32 $0x1B8B  }
0xa2: {  	_ =	swait.ge [sflag:s23], $0x1  }
0xa3: {  	[sflag:s23] =	ssyncset.done $0x0  }
0xa4: {  	s25 =	simm.s32 $0x1B8E;
	s24 =	sld [smem:$0x3FFE];
	[sflag:s23] =	ssyncadd.s32 $0xFFFFFFFF  }
0xa5: {  	s26 =	simm.s32 $execute0_lowered;
	[smem:$0x3FD2] =	sst s25  }
0xa6: {  	s5 =	sshll.u32 s26, $0x1;
	_ =	strace $0x80000046;
	[dreg:$0x1] =	wrdreg $0xFFFFFFFF  }
0xa7: {  	s28 =	simm.s32 $_size_execute0_lowered;
	s3 =	sadd.s32 s3, s5;
	[dreg:$0x0] =	wrdreg $0x0  }
0xa8: {  	s5 =	sshll.u32 s28, $0x1;
	[dreg:$0x2] =	wrdreg s3  }
0xa9: {  	[dreg:$0x3] =	wrdreg s5  }
0xaa: {  	[dreg:$0x4] =	wrdreg $0xC0  }
0xab: {  	_ =	task [dreg:s7], $0x5FFFF  }
0xac: {  	[dreg:$0x1] =	wrdreg $0xFFFFFFFF  }
0xad: {  	[dreg:$0x0] =	wrdreg $0x60  }
0xae: {  	[dreg:$0x2] =	wrdreg s24  }
0xaf: {  	[dreg:$0x3] =	wrdreg s2  }
0xb0: {  	[dreg:$0x4] =	wrdreg $0x9  }
0xb1: {  	_ =	task.clear_ibuf [dreg:s7], $0x5FFFF;
	_ =	strace $0x90000046  }
0xb2: {  	s29 =	simm.s32 $0x9;
	_ =	strace $0x80000048  }
0xb3: {  	_ =	swait.ge [sflag:s29], $0x1  }
0xb4: {  	[sflag:s29] =	ssyncadd.s32 $0xFFFFFFFF  }
0xb5: {  	_ =	strace $0x90000048  }
0xb6: {  	_ =	sfence  }
0xb7: {  	s30 =	sld [smem:$0x0];
	_ =	sdelay $0x2  }
0xb8: {  	s31 =	sshll.u32 s1, $0xD;
	s1 =	sshrl.u32 s1, $0x2  }
0xb9: {  	s3 =	sand.u32 $0x4000, s31;
	s1 =	sadd.s32 s1, s30  }
0xba: {  	s0 =	sor.u32 s3, s0;
	s1 =	sshll.u32 s1, $0x11  }
0xbb: {  	s0 =	sor.u32 s1, s0  }
0xbc: {  	s0 =	sadd.s32 $0x8F2B, s0  }
0xbd: {  	[sflag:s0] =	ssyncadd.remote.s32 $0x1  }
0xbe: {  	_ =	sfence.sel $0xFFFF  }
0xbf: {  	[dreg:$0x0] =	wrdreg $0xFFFFFFFF;
	(pc) =	sbr.abs _section_cstart, $3  }
0xc0: {  	[dreg:$0x1] =	wrdreg $0xFFFFFFFF  }
0xc1: {  	_ =	task.clear_ibuf [dreg:s7], $0x2FFFF;
	_ =	strace $0x9FFFFFFF  }
0xc2: {  	(tm) =	ssettm $0x7FFFFFFF  }
0xc3: {  	_ =	shalt  }
tec
execute0_lowered:
.L_overlay_start_1:
0x0: {  	(tag) =	ssettag $0x1  }
0x1: {  	s1 =	srdreg.scid;
	s7 =	rddreg [dreg:$0x0]  }
0x2: {  	s0 =	stileid.u32;
	s3 =	rddreg [dreg:$0x1]  }
0x3: {  	s15 =	simm.s32 $0x880;
	s16 =	simm.s32 $0x1080;
	s17 =	simm.s32 $0x1880  }
0x4: {  	s18 =	simm.s32 $0x2080;
	s1 =	sand.u32 $0x1, s1;
	s2 =	sshll.u32 s0, $0x1  }
0x5: {  	s19 =	simm.s32 $0x2880;
	s5 =	sor.u32 s1, s2;
	s2 =	simm.s32 $0x0  }
0x6: {  	s20 =	simm.s32 $0x3080;
	s21 =	simm.s32 $0x3880;
	[smem:$0x7FF] =	sst s2  }
0x7: {  	s22 =	simm.s32 $0x4080;
	_ =	strace $0x80000047;
	[dreg:$0x5] =	wrdreg s15  }
0x8: {  	s23 =	simm.s32 $0x4880;
	s24 =	simm.s32 $0x5080;
	[dreg:$0x6] =	wrdreg s16  }
0x9: {  	s9 =	simm.s32 $0x5880;
	s25 =	simm.s32 $0x6080;
	[dreg:$0x7] =	wrdreg s17  }
0xa: {  	s10 =	simm.s32 $0x80;
	s12 =	simm.s32 $0x7080;
	[dreg:$0x8] =	wrdreg s18  }
0xb: {  	s13 =	simm.s32 $0x7880;
	s28 =	simm.s32 $0xE880;
	[dreg:$0x9] =	wrdreg s19  }
0xc: {  	s29 =	simm.s32 $0xF080;
	s30 =	simm.s32 $0xF880;
	[dreg:$0xa] =	wrdreg s20  }
0xd: {  	s31 =	simm.s32 $0x1;
	s1 =	ssub.s32 $0x2, s1;
	[dreg:$0xb] =	wrdreg s21  }
0xe: {  	s4 =	sshll.u32 s5, $0x3;
	s6 =	sshll.u32 s5, $0xD;
	[dreg:$0xc] =	wrdreg s22  }
0xf: {  	s8 =	sshrl.u32 s1, $0x1;
	s26 =	sshll.u32 s5, $0x1;
	[dreg:$0xd] =	wrdreg s23  }
0x10: {  	s5 =	sadd.s32 $0x1900, s7;
	s4 =	sadd.s32 s4, s7;
	[dreg:$0xe] =	wrdreg s24  }
0x11: {  	s3 =	sadd.s32 s3, s6;
	s1 =	ssub.s32 s1, s8;
	[dreg:$0xf] =	wrdreg s9  }
0x12: {  	s6 =	sadd.s32 $0x1A00, s7;
	s9 =	simm.s32 $0x3;
	[dreg:$0x10] =	wrdreg s25  }
0x13: {  	s15 =	simm.s32 $0x8880;
	s16 =	simm.s32 $0x9080;
	s17 =	simm.s32 $0x9880  }
0x14: {  	s18 =	simm.s32 $0xA080;
	s19 =	simm.s32 $0xA880;
	s20 =	simm.s32 $0xB080  }
0x15: {  	s21 =	simm.s32 $0xB880;
	s22 =	simm.s32 $0xC080;
	s23 =	simm.s32 $0xC880  }
0x16: {  	s24 =	simm.s32 $0xD080;
	s25 =	simm.s32 $0xD880;
	s4 =	sadd.s32 $0x800, s4  }
0x17: {  	v3 =	vlaneseq.u32;
	v0 =	vmov s26;
	s26 =	simm.s32 $0xE080;
	s14 =	sadd.s32 $0x1000, s3;
	[dreg:$0x3] =	wrdreg s4  }
0x18: {  	vm0 =	vmmov $0xffff;
	v2 =	vshrl.u32 v3, $0x3;
	s8 =	smax.u32 s1, $0x1;
	s1 =	simm.s32 $0x2;
	[dreg:$0x4] =	wrdreg s14  }
0x19: {  	v1 =	vand.u32 $0x7, v3;
	v3 =	vor.u32 $0x8, v3;
	v2 =	vmul.u32 $0x8, v2;
	s4 =	sadd.s32 $0x1800, s7;
	s7 =	sadd.s32 $0x1B00, s7;
	s14 =	simm.s32 $0x8080  }
.LBB2_1:
0x1a: {  	s0 =	rddreg [dreg:$0x3]  }
0x1b: {  	[tilespmem:s2], [sflag:$0x3] =	stream.linear.gather [hbm4b:s0+s2], $0x40, $0x38;
	[tilespmem:$0x10080] =	vst v63  }
0x1c: {  	_ =	swait.ge [sflag:s9], $0x40  }
0x1d: {  	[sflag:s9] =	ssyncset.done $0x0  }
0x1e: {  	[sflag:s9] =	ssyncadd.s32 $0xFFFFFFC0  }
0x1f: {  	v4 =	vld [tilespmem:$0x0];
	_ =	sdelay $0x4  }
0x20: {  	v4 =	vadd.s32 v0, v4  }
0x21: {  	v5 =	vshll.u32 v4, $0x3  }
0x22: {  	v6 =	vld [tilespmem:$0x10];
	v7 =	vand.u32 $0x7, v4;
	v5 =	vand.u32 $0xFFFFFFC0, v5  }
0x23: {  	v8 =	vld [tilespmem:$0x20];
	v5 =	vor.u32 v7, v5  }
0x24: {  	v63 =	vld [tilespmem:$0x30];
	v9 =	vperm.xlane v5, v1;
	_ =	sdelay $0x1  }
0x25: {  	v9 =	vadd.s32 v2, v9  }
0x26: {  	[tilespmem:$0x0] =	vst v4;
	v4 =	vadd.s32 v0, v6  }
0x27: {  	[tilespmem:$0x10] =	vst v4;
	v4 =	vadd.s32 v0, v8  }
0x28: {  	[tilespmem:$0x20] =	vst v4;
	v4 =	vadd.s32 v0, v63  }
0x29: {  	[tilespmem:$0x30] =	vst v4  }
0x2a: {  	[tilespmem:s10], [sflag:$0x1] =	stream.indirect_vreg.gather [hbm4b:s4+s2], $0x80, v9, vm0, $0xb8;
	[tilespmem:$0x10080] =	vst v63  }
0x2b: {  	s0 =	rddreg [dreg:$0x5];
	v4 =	vperm.xlane v5, v3  }
0x2c: {  	[tilespmem:s0], [sflag:$0x1] =	stream.indirect_vreg.gather [hbm4b:s5+s2], $0x80, v9, vm0, $0xb8;
	[tilespmem:$0x10080] =	vst v63  }
0x2d: {  	s11 =	rddreg [dreg:$0x6];
	v4 =	vadd.s32 v2, v4  }
0x2e: {  	[tilespmem:s11], [sflag:$0x1] =	stream.indirect_vreg.gather [hbm4b:s6+s2], $0x80, v9, vm0, $0xb8;
	[tilespmem:$0x10080] =	vst v63  }
0x2f: {  	s0 =	rddreg [dreg:$0x7]  }
0x30: {  	[tilespmem:s0], [sflag:$0x1] =	stream.indirect_vreg.gather [hbm4b:s7+s2], $0x80, v9, vm0, $0xb8;
	[tilespmem:$0x10080] =	vst v63  }
0x31: {  	s11 =	rddreg [dreg:$0x8]  }
0x32: {  	[tilespmem:s11], [sflag:$0x1] =	stream.indirect_vreg.gather [hbm4b:s4+s2], $0x80, v4, vm0, $0xb8;
	[tilespmem:$0x10080] =	vst v63  }
0x33: {  	s0 =	rddreg [dreg:$0x9]  }
0x34: {  	[tilespmem:s0], [sflag:$0x1] =	stream.indirect_vreg.gather [hbm4b:s5+s2], $0x80, v4, vm0, $0xb8;
	[tilespmem:$0x10080] =	vst v63  }
0x35: {  	s11 =	rddreg [dreg:$0xa]  }
0x36: {  	[tilespmem:s11], [sflag:$0x1] =	stream.indirect_vreg.gather [hbm4b:s6+s2], $0x80, v4, vm0, $0xb8;
	[tilespmem:$0x10080] =	vst v63  }
0x37: {  	s0 =	rddreg [dreg:$0xb]  }
0x38: {  	[tilespmem:s0], [sflag:$0x1] =	stream.indirect_vreg.gather [hbm4b:s7+s2], $0x80, v4, vm0, $0xb8;
	[tilespmem:$0x10080] =	vst v63  }
0x39: {  	v4 =	vld [tilespmem:$0x10];
	_ =	sdelay $0x4  }
0x3a: {  	v5 =	vshll.u32 v4, $0x3  }
0x3b: {  	v4 =	vand.u32 $0x7, v4;
	v5 =	vand.u32 $0xFFFFFFC0, v5  }
0x3c: {  	v4 =	vor.u32 v4, v5  }
0x3d: {  	v5 =	vperm.xlane v4, v1;
	_ =	sdelay $0x1  }
0x3e: {  	v5 =	vadd.s32 v2, v5;
	_ =	sdelay $0x3  }
0x3f: {  	s0 =	rddreg [dreg:$0xc]  }
0x40: {  	[tilespmem:s0], [sflag:$0x1] =	stream.indirect_vreg.gather [hbm4b:s4+s2], $0x80, v5, vm0, $0xb8;
	[tilespmem:$0x10080] =	vst v63  }
0x41: {  	s11 =	rddreg [dreg:$0xd];
	v4 =	vperm.xlane v4, v3  }
0x42: {  	[tilespmem:s11], [sflag:$0x1] =	stream.indirect_vreg.gather [hbm4b:s5+s2], $0x80, v5, vm0, $0xb8;
	[tilespmem:$0x10080] =	vst v63  }
0x43: {  	v4 =	vadd.s32 v2, v4;
	s0 =	rddreg [dreg:$0xe]  }
0x44: {  	[tilespmem:s0], [sflag:$0x1] =	stream.indirect_vreg.gather [hbm4b:s6+s2], $0x80, v5, vm0, $0xb8;
	[tilespmem:$0x10080] =	vst v63  }
0x45: {  	s11 =	rddreg [dreg:$0xf]  }
0x46: {  	[tilespmem:s11], [sflag:$0x1] =	stream.indirect_vreg.gather [hbm4b:s7+s2], $0x80, v5, vm0, $0xb8;
	[tilespmem:$0x10080] =	vst v63  }
0x47: {  	s0 =	rddreg [dreg:$0x10]  }
0x48: {  	[tilespmem:s0], [sflag:$0x1] =	stream.indirect_vreg.gather [hbm4b:s4+s2], $0x80, v4, vm0, $0xb8;
	[tilespmem:$0x10080] =	vst v63  }
0x49: {  	s11 =	simm.s32 $0x6880  }
0x4a: {  	[tilespmem:s11], [sflag:$0x1] =	stream.indirect_vreg.gather [hbm4b:s5+s2], $0x80, v4, vm0, $0xb8;
	[tilespmem:$0x10080] =	vst v63  }
0x4b: {  	_ = 	snop  }
0x4c: {  	[tilespmem:s12], [sflag:$0x1] =	stream.indirect_vreg.gather [hbm4b:s6+s2], $0x80, v4, vm0, $0xb8;
	[tilespmem:$0x10080] =	vst v63  }
0x4d: {  	_ = 	snop  }
0x4e: {  	[tilespmem:s13], [sflag:$0x1] =	stream.indirect_vreg.gather [hbm4b:s7+s2], $0x80, v4, vm0, $0xb8;
	[tilespmem:$0x10080] =	vst v63  }
0x4f: {  	v4 =	vld [tilespmem:$0x20];
	_ =	sdelay $0x4  }
0x50: {  	v5 =	vshll.u32 v4, $0x3  }
0x51: {  	v4 =	vand.u32 $0x7, v4;
	v5 =	vand.u32 $0xFFFFFFC0, v5  }
0x52: {  	v4 =	vor.u32 v4, v5  }
0x53: {  	v5 =	vperm.xlane v4, v1;
	_ =	sdelay $0x1  }
0x54: {  	v5 =	vadd.s32 v2, v5;
	_ =	sdelay $0x4  }
0x55: {  	[tilespmem:s14], [sflag:$0x2] =	stream.indirect_vreg.gather [hbm4b:s4+s2], $0x80, v5, vm0, $0xb8;
	[tilespmem:$0x10080] =	vst v63  }
0x56: {  	v4 =	vperm.xlane v4, v3  }
0x57: {  	[tilespmem:s15], [sflag:$0x2] =	stream.indirect_vreg.gather [hbm4b:s5+s2], $0x80, v5, vm0, $0xb8;
	[tilespmem:$0x10080] =	vst v63  }
0x58: {  	v4 =	vadd.s32 v2, v4  }
0x59: {  	[tilespmem:s16], [sflag:$0x2] =	stream.indirect_vreg.gather [hbm4b:s6+s2], $0x80, v5, vm0, $0xb8;
	[tilespmem:$0x10080] =	vst v63  }
0x5a: {  	_ = 	snop  }
0x5b: {  	[tilespmem:s17], [sflag:$0x2] =	stream.indirect_vreg.gather [hbm4b:s7+s2], $0x80, v5, vm0, $0xb8;
	[tilespmem:$0x10080] =	vst v63  }
0x5c: {  	_ = 	snop  }
0x5d: {  	[tilespmem:s18], [sflag:$0x2] =	stream.indirect_vreg.gather [hbm4b:s4+s2], $0x80, v4, vm0, $0xb8;
	[tilespmem:$0x10080] =	vst v63  }
0x5e: {  	_ = 	snop  }
0x5f: {  	[tilespmem:s19], [sflag:$0x2] =	stream.indirect_vreg.gather [hbm4b:s5+s2], $0x80, v4, vm0, $0xb8;
	[tilespmem:$0x10080] =	vst v63  }
0x60: {  	_ = 	snop  }
0x61: {  	[tilespmem:s20], [sflag:$0x2] =	stream.indirect_vreg.gather [hbm4b:s6+s2], $0x80, v4, vm0, $0xb8;
	[tilespmem:$0x10080] =	vst v63  }
0x62: {  	_ = 	snop  }
0x63: {  	[tilespmem:s21], [sflag:$0x2] =	stream.indirect_vreg.gather [hbm4b:s7+s2], $0x80, v4, vm0, $0xb8;
	[tilespmem:$0x10080] =	vst v63  }
0x64: {  	v4 =	vld [tilespmem:$0x30];
	_ =	sdelay $0x4  }
0x65: {  	v5 =	vshll.u32 v4, $0x3  }
0x66: {  	v4 =	vand.u32 $0x7, v4;
	v5 =	vand.u32 $0xFFFFFFC0, v5  }
0x67: {  	v4 =	vor.u32 v4, v5  }
0x68: {  	v5 =	vperm.xlane v4, v1;
	_ =	sdelay $0x1  }
0x69: {  	v5 =	vadd.s32 v2, v5;
	_ =	sdelay $0x4  }
0x6a: {  	[tilespmem:s22], [sflag:$0x2] =	stream.indirect_vreg.gather [hbm4b:s4+s2], $0x80, v5, vm0, $0xb8;
	[tilespmem:$0x10080] =	vst v63  }
0x6b: {  	v4 =	vperm.xlane v4, v3  }
0x6c: {  	[tilespmem:s23], [sflag:$0x2] =	stream.indirect_vreg.gather [hbm4b:s5+s2], $0x80, v5, vm0, $0xb8;
	[tilespmem:$0x10080] =	vst v63  }
0x6d: {  	v4 =	vadd.s32 v2, v4  }
0x6e: {  	[tilespmem:s24], [sflag:$0x2] =	stream.indirect_vreg.gather [hbm4b:s6+s2], $0x80, v5, vm0, $0xb8;
	[tilespmem:$0x10080] =	vst v63  }
0x6f: {  	_ = 	snop  }
0x70: {  	[tilespmem:s25], [sflag:$0x2] =	stream.indirect_vreg.gather [hbm4b:s7+s2], $0x80, v5, vm0, $0xb8;
	[tilespmem:$0x10080] =	vst v63  }
0x71: {  	_ = 	snop  }
0x72: {  	[tilespmem:s26], [sflag:$0x2] =	stream.indirect_vreg.gather [hbm4b:s4+s2], $0x80, v4, vm0, $0xb8;
	[tilespmem:$0x10080] =	vst v63  }
0x73: {  	_ = 	snop  }
0x74: {  	[tilespmem:s28], [sflag:$0x2] =	stream.indirect_vreg.gather [hbm4b:s5+s2], $0x80, v4, vm0, $0xb8;
	[tilespmem:$0x10080] =	vst v63  }
0x75: {  	_ = 	snop  }
0x76: {  	[tilespmem:s29], [sflag:$0x2] =	stream.indirect_vreg.gather [hbm4b:s6+s2], $0x80, v4, vm0, $0xb8;
	[tilespmem:$0x10080] =	vst v63  }
0x77: {  	_ = 	snop  }
0x78: {  	[tilespmem:s30], [sflag:$0x2] =	stream.indirect_vreg.gather [hbm4b:s7+s2], $0x80, v4, vm0, $0xb8;
	[tilespmem:$0x10080] =	vst v63  }
0x79: {  	_ =	swait.ge [sflag:s31], $0x8000  }
0x7a: {  	[sflag:s31] =	ssyncset.done $0x0  }
0x7b: {  	[sflag:s31] =	ssyncadd.s32 $0xFFFF8000  }
0x7c: {  	[hbm4b:s3+s2] =	stream.linear.scatter [tilespmem:s10], [sflag:$0x3], $0x8000, $0x38;
	[tilespmem:$0x10080] =	vst v63  }
0x7d: {  	_ =	swait.ge [sflag:s9], $0x8000  }
0x7e: {  	[sflag:s9] =	ssyncset.done $0x0  }
0x7f: {  	[sflag:s9] =	ssyncadd.s32 $0xFFFF8000  }
0x80: {  	_ =	swait.ge [sflag:s1], $0x8000  }
0x81: {  	p0 =	sne.s32 s8, $0x1;
	[sflag:s1] =	ssyncset.done $0x0  }
.Ltmp0:
0x82: {  	s11 =	rddreg [dreg:$0x4];
	[sflag:s1] =	ssyncadd.s32 $0xFFFF8000;
	(pc) =	sbr.rel @p0 .LBB2_1-.Ltmp0, $4  }
0x83: {  	[hbm4b:s11+s2] =	stream.linear.scatter [tilespmem:s14], [sflag:$0x3], $0x8000, $0x38;
	[tilespmem:$0x10080] =	vst v63  }
0x84: {  	_ =	swait.ge [sflag:s9], $0x8000  }
0x85: {  	[sflag:s9] =	ssyncset.done $0x0  }
0x86: {  	s8 =	sadd.s32 $0xFFFFFFFF, s8;
	[sflag:s9] =	ssyncadd.s32 $0xFFFF8000  }
0x87: {  	_ =	sfence.sel $0x180000  }
0x88: {  	[bflag:$0x0] =	sbarrier.arrive $0xFFFF  }
0x89: {  	_ =	strace $0x90000047  }
0x8a: {  	s0 =	stileid.u32;
	[bflag:$0x2] =	sbarrier.arrive $0xFFFF  }
0x8b: {  	p0 =	sne.s32 s0, $0x0;
	s0 =	rddreg [dreg:$0x2]  }
0x8c: {  	s0 =	sadd.s32 @!p0 $0x100000, s0  }
0x8d: {  	[sflag:s0] =	ssyncadd.tile.s32 @!p0 $0x1;
	_ =	shalt  }
.Lfunc_end2:
_tile_overlayer_lowered:
.L_overlay_start_2:
0x8e: {  	(tag) =	ssettag $0x2  }
0x8f: {  	s0 =	rddreg [dreg:$0x0];
	s2 =	stileid.u32  }
0x90: {  	s1 =	rddreg [dreg:$0x1];
	p0 =	sne.s32 s2, $0x0  }
0x91: {  	s3 =	rddreg [dreg:$0x2];
	[bflag:$0x3] =	sbarrier.arrive $0xFFFF;
	s2 =	simm.s32 @!p0 $0x1C03  }
0x92: {  	[timem:s3], [sflag:s2] =	dma.local @!p0 [hbm:s0], s1  }
0x93: {  	s0 =	simm.s32 @!p0 $0x3  }
0x94: {  	_ =	swait.ge @!p0 [sflag:s0], s1  }
0x95: {  	s1 =	ssub.s32 @!p0 $0x0, s1;
	[sflag:s0] =	ssyncset.done @!p0 $0x0  }
0x96: {  	[sflag:s0] =	ssyncadd.s32 @!p0 s1  }
0x97: {  	[bflag:$0x3] =	sbarrier.arrive $0xFFFF  }
0x98: {  	_ =	shalt  }

</sc_bundles>
